<compile_context>
chip_gen: v7x
topology: tpu7x:2x2x1
jax: 0.10.2.dev20260603
libtpu: 0.0.44.dev20260713+nightly
codegen_flags: <defaults>
</compile_context>

<pallas_src>
import functools

import jax
import jax.numpy as jnp
from jax import lax
from jax.experimental import pallas as pl
from jax.experimental.pallas import tpu as pltpu
from jax.experimental.pallas import tpu_sc as plsc

_NC = 2
_NS = 16
_NW = _NC * _NS


def _sc_body(rows_per_w, batch, h_hbm, lab_hbm, c_hbm, out_hbm,
             idx_v, xv, crow_v, pv, sem, gsem):
    cid = lax.axis_index("c")
    sid = lax.axis_index("s")
    wid = sid * _NC + cid
    base = wid * rows_per_w

    h_cp = pltpu.async_copy(h_hbm.at[pl.ds(base, rows_per_w), :], xv, sem)
    pltpu.sync_copy(lab_hbm, idx_v)
    slab = idx_v[...][0]
    pltpu.async_copy(c_hbm.at[pl.ds(slab, 1), :], crow_v, gsem).wait()
    h_cp.wait()

    zeros = jnp.zeros((16,), jnp.float32)

    def body(r, carry):
        c0, c1, c2, c3, sq = carry
        v0 = xv[r, pl.ds(0, 16)]
        v1 = xv[r, pl.ds(16, 16)]
        v2 = xv[r, pl.ds(32, 16)]
        v3 = xv[r, pl.ds(48, 16)]
        sq = sq + v0 * v0 + v1 * v1 + v2 * v2 + v3 * v3
        return (c0 + v0, c1 + v1, c2 + v2, c3 + v3, sq)

    c0, c1, c2, c3, sq = lax.fori_loop(
        0, rows_per_w, body, (zeros, zeros, zeros, zeros, zeros)
    )

    r0 = crow_v[0, pl.ds(0, 16)]
    r1 = crow_v[0, pl.ds(16, 16)]
    r2 = crow_v[0, pl.ds(32, 16)]
    r3 = crow_v[0, pl.ds(48, 16)]
    csq_share = jnp.float32(batch / _NW)
    partial = (sq - 2.0 * (c0 * r0 + c1 * r1 + c2 * r2 + c3 * r3)
               + csq_share * (r0 * r0 + r1 * r1 + r2 * r2 + r3 * r3))
    pv[...] = partial
    pltpu.sync_copy(pv, out_hbm.at[pl.ds(wid * 16, 16)])


def kernel(h, labels, centers):
    B, D = h.shape
    rows_per_w = B // _NW
    lab = jnp.full((16,), labels, dtype=jnp.int32)
    mesh = plsc.VectorSubcoreMesh(core_axis_name="c", subcore_axis_name="s")
    partials = pl.kernel(
        functools.partial(_sc_body, rows_per_w, float(B)),
        out_type=jax.ShapeDtypeStruct((_NW * 16,), jnp.float32),
        mesh=mesh,
        scratch_types=[
            pltpu.VMEM((16,), jnp.int32),
            pltpu.VMEM((rows_per_w, D), jnp.float32),
            pltpu.VMEM((1, D), jnp.float32),
            pltpu.VMEM((16,), jnp.float32),
            pltpu.SemaphoreType.DMA,
            pltpu.SemaphoreType.DMA,
        ],
    )(h, lab, centers)
    return (jnp.sum(partials) / (B * D)).astype(jnp.float32)

# --- scband reference (transcript-rebuilt; emitter-appended) ---
"""Pipeline reference for scband-center-loss-80307298500991 (READ-ONLY COPY).

The authoritative reference and input builder live on the scoring server;
editing this copy changes nothing except your own understanding.
"""

import jax, jax.numpy as jnp
import numpy as np

NUM_CLASSES = 100000
FEAT_DIM = 64
BATCH = 16384

def setup_inputs(seed: int = 0) -> dict:
    key = jax.random.key(seed)
    k_h, k_c = jax.random.split(key)
    h = jax.random.normal(k_h, (BATCH, FEAT_DIM), dtype=jnp.float32)
    centers = jax.random.normal(k_c, (NUM_CLASSES, FEAT_DIM), dtype=jnp.float32)
    labels = 777  # python int scalar, as in the torch forward signature
    return {"h": h, "labels": labels, "centers": centers}

def reference(h, labels, centers):
    # labels is a python int; torch code expands it to a length-B vector
    B = h.shape[0]
    lab = jnp.full((B,), labels, dtype=jnp.int64 if jax.config.jax_enable_x64 else jnp.int32)
    # torch.gather(centers, 0, labels.view(-1,1).expand(-1, feat_dim)) == row gather
    centers_batch = jnp.take(centers, lab, axis=0)
    # nn.MSELoss() default reduction='mean'
    center_loss = jnp.mean((h - centers_batch) ** 2)
    return center_loss

if __name__ == "__main__":
    import jax
    _d = setup_inputs()
    print(jax.jit(kernel)(*tuple(_d.values())))

</pallas_src>

<mosaic_0001>
#map = affine_map<(d0, d1) -> (0, 0)>
#map1 = affine_map<(d0, d1) -> (0)>
module attributes {stable_mosaic.version = 14 : i64} {
  func.func @_sc_body(%arg0: i32, %arg1: i32, %arg2: memref<16384x64xf32, #tpu.memory_space<hbm>>, %arg3: memref<16xi32, #tpu.memory_space<hbm>>, %arg4: memref<100000x64xf32, #tpu.memory_space<hbm>>, %arg5: memref<512xf32, #tpu.memory_space<hbm>>, %arg6: memref<16xi32, #tpu.memory_space<vmem>>, %arg7: memref<512x64xf32, #tpu.memory_space<vmem>>, %arg8: memref<1x64xf32, #tpu.memory_space<vmem>>, %arg9: memref<16xf32, #tpu.memory_space<vmem>>, %arg10: memref<!tpu.dma_semaphore, #tpu.memory_space<semaphore_mem>>, %arg11: memref<!tpu.dma_semaphore, #tpu.memory_space<semaphore_mem>>) attributes {dimension_semantics = [#tpu.dimension_semantics<core_parallel>, #tpu.dimension_semantics<subcore_parallel>], iteration_bounds = array<i64: 2, 16>, scalar_prefetch = 0 : i64, scratch_operands = 6 : i64, tpu.core_type = #tpu.core_type<sc_vector_subcore>, window_params = [{transform_indices = #map}, {transform_indices = #map1}, {transform_indices = #map}, {transform_indices = #map1}]} {
    %mul3A = arith.constant 2 : i32
    %mul3A_0 = arith.muli %arg1, %mul3A : i32
    %add3A = arith.addi %mul3A_0, %arg0 : i32
    %mul3A_1 = arith.constant 512 : i32
    %mul3A_2 = arith.muli %add3A, %mul3A_1 : i32
    %dma_start3A = arith.constant 0 : i32
    %dma_start3A_3 = tpu.memref_slice %arg2[%mul3A_2, %dma_start3A] : memref<16384x64xf32, #tpu.memory_space<hbm>> -> memref<512x64xf32, #tpu.memory_space<hbm>>
    %dma_start3A_4 = arith.constant 0 : i32
    %dma_start3A_5 = tpu.memref_slice %arg2[%mul3A_2, %dma_start3A_4] : memref<16384x64xf32, #tpu.memory_space<hbm>> -> memref<512x64xf32, #tpu.memory_space<hbm>>
    tpu.enqueue_dma source(%dma_start3A_5 : memref<512x64xf32, #tpu.memory_space<hbm>>) target(%arg7 : memref<512x64xf32, #tpu.memory_space<vmem>>) target_semaphore(%arg10 : memref<!tpu.dma_semaphore, #tpu.memory_space<semaphore_mem>>)
    "tpu.region"() ({
      %run_scoped3A = tpu.sem_alloc : memref<!tpu.dma_semaphore, #tpu.memory_space<semaphore_mem>>
      tpu.enqueue_dma source(%arg3 : memref<16xi32, #tpu.memory_space<hbm>>) target(%arg6 : memref<16xi32, #tpu.memory_space<vmem>>) target_semaphore(%run_scoped3A : memref<!tpu.dma_semaphore, #tpu.memory_space<semaphore_mem>>)
      tpu.wait_dma2 semaphore(%run_scoped3A : memref<!tpu.dma_semaphore, #tpu.memory_space<semaphore_mem>>) src(%arg3 : memref<16xi32, #tpu.memory_space<hbm>>) dst(%arg6 : memref<16xi32, #tpu.memory_space<vmem>>)
      tpu.yield
    }) : () -> ()
    %get3A = arith.constant 0 : index
    %get3A_6 = tpu.vector_load %arg6[%get3A] {strides = array<i32>} : memref<16xi32, #tpu.memory_space<vmem>>, vector<16xi32>,
    %get3A_7 = vector.shape_cast %get3A_6 : vector<16xi32> to vector<16xi32>
    %slice3A = vector.extract_strided_slice %get3A_7 {offsets = [0], sizes = [1], strides = [1]} : vector<16xi32> to vector<1xi32>
    %squeeze3A = vector.extract %slice3A[0] : i32 from vector<1xi32>
    %dma_start3A_8 = arith.constant 0 : i32
    %dma_start3A_9 = tpu.memref_slice %arg4[%squeeze3A, %dma_start3A_8] : memref<100000x64xf32, #tpu.memory_space<hbm>> -> memref<1x64xf32, #tpu.memory_space<hbm>>
    %dma_start3A_10 = arith.constant 0 : i32
    %dma_start3A_11 = tpu.memref_slice %arg4[%squeeze3A, %dma_start3A_10] : memref<100000x64xf32, #tpu.memory_space<hbm>> -> memref<1x64xf32, #tpu.memory_space<hbm>>
    tpu.enqueue_dma source(%dma_start3A_11 : memref<1x64xf32, #tpu.memory_space<hbm>>) target(%arg8 : memref<1x64xf32, #tpu.memory_space<vmem>>) target_semaphore(%arg11 : memref<!tpu.dma_semaphore, #tpu.memory_space<semaphore_mem>>)
    %dma_wait3A = arith.constant 0 : i32
    %dma_wait3A_12 = tpu.memref_slice %arg4[%squeeze3A, %dma_wait3A] : memref<100000x64xf32, #tpu.memory_space<hbm>> -> memref<1x64xf32, #tpu.memory_space<hbm>>
    %dma_wait3A_13 = arith.constant 0 : i32
    %dma_wait3A_14 = tpu.memref_slice %arg4[%squeeze3A, %dma_wait3A_13] : memref<100000x64xf32, #tpu.memory_space<hbm>> -> memref<1x64xf32, #tpu.memory_space<hbm>>
    tpu.wait_dma2 semaphore(%arg11 : memref<!tpu.dma_semaphore, #tpu.memory_space<semaphore_mem>>) src(%dma_wait3A_14 : memref<1x64xf32, #tpu.memory_space<hbm>>) dst(%arg8 : memref<1x64xf32, #tpu.memory_space<vmem>>)
    %dma_wait3A_15 = arith.constant 0 : i32
    %dma_wait3A_16 = tpu.memref_slice %arg2[%mul3A_2, %dma_wait3A_15] : memref<16384x64xf32, #tpu.memory_space<hbm>> -> memref<512x64xf32, #tpu.memory_space<hbm>>
    %dma_wait3A_17 = arith.constant 0 : i32
    %dma_wait3A_18 = tpu.memref_slice %arg2[%mul3A_2, %dma_wait3A_17] : memref<16384x64xf32, #tpu.memory_space<hbm>> -> memref<512x64xf32, #tpu.memory_space<hbm>>
    tpu.wait_dma2 semaphore(%arg10 : memref<!tpu.dma_semaphore, #tpu.memory_space<semaphore_mem>>) src(%dma_wait3A_18 : memref<512x64xf32, #tpu.memory_space<hbm>>) dst(%arg7 : memref<512x64xf32, #tpu.memory_space<vmem>>)
    %broadcast_in_dim3A = arith.constant 0.000000e+00 : f32
    %broadcast_in_dim3A_19 = vector.broadcast %broadcast_in_dim3A : f32 to vector<16xf32>
    %scan3A = arith.constant 0 : i32
    %scan3A_20 = arith.constant 512 : i32
    %scan3A_21 = arith.addi %scan3A, %scan3A_20 : i32
    %scan3A_22 = arith.constant 1 : i32
    %scan3A_23:5 = scf.for %scan3A_71 = %scan3A to %scan3A_21 step %scan3A_22 iter_args(%scan3A_72 = %broadcast_in_dim3A_19, %scan3A_73 = %broadcast_in_dim3A_19, %scan3A_74 = %broadcast_in_dim3A_19, %scan3A_75 = %broadcast_in_dim3A_19, %scan3A_76 = %broadcast_in_dim3A_19) -> (vector<16xf32>, vector<16xf32>, vector<16xf32>, vector<16xf32>, vector<16xf32>)  : i32 {
      %get3A_77 = arith.index_cast %scan3A_71 : i32 to index
      %get3A_78 = arith.constant 0 : index
      %get3A_79 = tpu.vector_load %arg7[%get3A_77, %get3A_78] {strides = array<i32>} : memref<512x64xf32, #tpu.memory_space<vmem>>, vector<1x16xf32>,
      %get3A_80 = vector.shape_cast %get3A_79 : vector<1x16xf32> to vector<16xf32>
      %get3A_81 = arith.index_cast %scan3A_71 : i32 to index
      %get3A_82 = arith.constant 16 : index
      %get3A_83 = tpu.vector_load %arg7[%get3A_81, %get3A_82] {strides = array<i32>} : memref<512x64xf32, #tpu.memory_space<vmem>>, vector<1x16xf32>,
      %get3A_84 = vector.shape_cast %get3A_83 : vector<1x16xf32> to vector<16xf32>
      %get3A_85 = arith.index_cast %scan3A_71 : i32 to index
      %get3A_86 = arith.constant 32 : index
      %get3A_87 = tpu.vector_load %arg7[%get3A_85, %get3A_86] {strides = array<i32>} : memref<512x64xf32, #tpu.memory_space<vmem>>, vector<1x16xf32>,
      %get3A_88 = vector.shape_cast %get3A_87 : vector<1x16xf32> to vector<16xf32>
      %get3A_89 = arith.index_cast %scan3A_71 : i32 to index
      %get3A_90 = arith.constant 48 : index
      %get3A_91 = tpu.vector_load %arg7[%get3A_89, %get3A_90] {strides = array<i32>} : memref<512x64xf32, #tpu.memory_space<vmem>>, vector<1x16xf32>,
      %get3A_92 = vector.shape_cast %get3A_91 : vector<1x16xf32> to vector<16xf32>
      %mul3A_93 = arith.mulf %get3A_80, %get3A_80 : vector<16xf32>
      %add3A_94 = arith.addf %scan3A_76, %mul3A_93 : vector<16xf32>
      %mul3A_95 = arith.mulf %get3A_84, %get3A_84 : vector<16xf32>
      %add3A_96 = arith.addf %add3A_94, %mul3A_95 : vector<16xf32>
      %mul3A_97 = arith.mulf %get3A_88, %get3A_88 : vector<16xf32>
      %add3A_98 = arith.addf %add3A_96, %mul3A_97 : vector<16xf32>
      %mul3A_99 = arith.mulf %get3A_92, %get3A_92 : vector<16xf32>
      %add3A_100 = arith.addf %add3A_98, %mul3A_99 : vector<16xf32>
      %add3A_101 = arith.addf %scan3A_72, %get3A_80 : vector<16xf32>
      %add3A_102 = arith.addf %scan3A_73, %get3A_84 : vector<16xf32>
      %add3A_103 = arith.addf %scan3A_74, %get3A_88 : vector<16xf32>
      %add3A_104 = arith.addf %scan3A_75, %get3A_92 : vector<16xf32>
      scf.yield %add3A_101, %add3A_102, %add3A_103, %add3A_104, %add3A_100 : vector<16xf32>, vector<16xf32>, vector<16xf32>, vector<16xf32>, vector<16xf32>
    }
    %scan3A_24 = arith.constant 512 : i32
    %get3A_25 = arith.constant 0 : i32
    %get3A_26 = arith.index_cast %get3A_25 : i32 to index
    %get3A_27 = arith.constant 0 : index
    %get3A_28 = tpu.vector_load %arg8[%get3A_26, %get3A_27] {strides = array<i32>} : memref<1x64xf32, #tpu.memory_space<vmem>>, vector<1x16xf32>,
    %get3A_29 = vector.shape_cast %get3A_28 : vector<1x16xf32> to vector<16xf32>
    %get3A_30 = arith.constant 0 : i32
    %get3A_31 = arith.index_cast %get3A_30 : i32 to index
    %get3A_32 = arith.constant 16 : index
    %get3A_33 = tpu.vector_load %arg8[%get3A_31, %get3A_32] {strides = array<i32>} : memref<1x64xf32, #tpu.memory_space<vmem>>, vector<1x16xf32>,
    %get3A_34 = vector.shape_cast %get3A_33 : vector<1x16xf32> to vector<16xf32>
    %get3A_35 = arith.constant 0 : i32
    %get3A_36 = arith.index_cast %get3A_35 : i32 to index
    %get3A_37 = arith.constant 32 : index
    %get3A_38 = tpu.vector_load %arg8[%get3A_36, %get3A_37] {strides = array<i32>} : memref<1x64xf32, #tpu.memory_space<vmem>>, vector<1x16xf32>,
    %get3A_39 = vector.shape_cast %get3A_38 : vector<1x16xf32> to vector<16xf32>
    %get3A_40 = arith.constant 0 : i32
    %get3A_41 = arith.index_cast %get3A_40 : i32 to index
    %get3A_42 = arith.constant 48 : index
    %get3A_43 = tpu.vector_load %arg8[%get3A_41, %get3A_42] {strides = array<i32>} : memref<1x64xf32, #tpu.memory_space<vmem>>, vector<1x16xf32>,
    %get3A_44 = vector.shape_cast %get3A_43 : vector<1x16xf32> to vector<16xf32>
    %mul3A_45 = arith.mulf %scan3A_23#0, %get3A_29 : vector<16xf32>
    %mul3A_46 = arith.mulf %scan3A_23#1, %get3A_34 : vector<16xf32>
    %add3A_47 = arith.addf %mul3A_45, %mul3A_46 : vector<16xf32>
    %mul3A_48 = arith.mulf %scan3A_23#2, %get3A_39 : vector<16xf32>
    %add3A_49 = arith.addf %add3A_47, %mul3A_48 : vector<16xf32>
    %mul3A_50 = arith.mulf %scan3A_23#3, %get3A_44 : vector<16xf32>
    %add3A_51 = arith.addf %add3A_49, %mul3A_50 : vector<16xf32>
    %mul3A_52 = arith.constant 2.000000e+00 : f32
    %mul3A_53 = vector.broadcast %mul3A_52 : f32 to vector<16xf32>
    %mul3A_54 = arith.mulf %mul3A_53, %add3A_51 : vector<16xf32>
    %sub3A = arith.subf %scan3A_23#4, %mul3A_54 : vector<16xf32>
    %mul3A_55 = arith.mulf %get3A_29, %get3A_29 : vector<16xf32>
    %mul3A_56 = arith.mulf %get3A_34, %get3A_34 : vector<16xf32>
    %add3A_57 = arith.addf %mul3A_55, %mul3A_56 : vector<16xf32>
    %mul3A_58 = arith.mulf %get3A_39, %get3A_39 : vector<16xf32>
    %add3A_59 = arith.addf %add3A_57, %mul3A_58 : vector<16xf32>
    %mul3A_60 = arith.mulf %get3A_44, %get3A_44 : vector<16xf32>
    %add3A_61 = arith.addf %add3A_59, %mul3A_60 : vector<16xf32>
    %mul3A_62 = arith.constant 5.120000e+02 : f32
    %mul3A_63 = vector.broadcast %mul3A_62 : f32 to vector<16xf32>
    %mul3A_64 = arith.mulf %mul3A_63, %add3A_61 : vector<16xf32>
    %add3A_65 = arith.addf %sub3A, %mul3A_64 : vector<16xf32>
    %swap3A = arith.constant 0 : index
    %swap3A_66 = tpu.vector_load %arg9[%swap3A] {strides = array<i32>} : memref<16xf32, #tpu.memory_space<vmem>>, vector<16xf32>,
    %swap3A_67 = vector.shape_cast %swap3A_66 : vector<16xf32> to vector<16xf32>
    %swap3A_68 = vector.shape_cast %add3A_65 : vector<16xf32> to vector<16xf32>
    tpu.vector_store %arg9[%swap3A], %swap3A_68 {strides = array<i32>} : memref<16xf32, #tpu.memory_space<vmem>>, vector<16xf32>,
    %mul3A_69 = arith.constant 16 : i32
    %mul3A_70 = arith.muli %add3A, %mul3A_69 : i32
    "tpu.region"() ({
      %run_scoped3A = tpu.sem_alloc : memref<!tpu.dma_semaphore, #tpu.memory_space<semaphore_mem>>
      %dma_start3A_71 = tpu.memref_slice %arg5[%mul3A_70] : memref<512xf32, #tpu.memory_space<hbm>> -> memref<16xf32, #tpu.memory_space<hbm>>
      %dma_start3A_72 = tpu.memref_slice %arg5[%mul3A_70] : memref<512xf32, #tpu.memory_space<hbm>> -> memref<16xf32, #tpu.memory_space<hbm>>
      tpu.enqueue_dma source(%arg9 : memref<16xf32, #tpu.memory_space<vmem>>) target(%dma_start3A_72 : memref<16xf32, #tpu.memory_space<hbm>>) target_semaphore(%run_scoped3A : memref<!tpu.dma_semaphore, #tpu.memory_space<semaphore_mem>>)
      %dma_wait3A_73 = tpu.memref_slice %arg5[%mul3A_70] : memref<512xf32, #tpu.memory_space<hbm>> -> memref<16xf32, #tpu.memory_space<hbm>>
      %dma_wait3A_74 = tpu.memref_slice %arg5[%mul3A_70] : memref<512xf32, #tpu.memory_space<hbm>> -> memref<16xf32, #tpu.memory_space<hbm>>
      tpu.wait_dma2 semaphore(%run_scoped3A : memref<!tpu.dma_semaphore, #tpu.memory_space<semaphore_mem>>) src(%arg9 : memref<16xf32, #tpu.memory_space<vmem>>) dst(%dma_wait3A_74 : memref<16xf32, #tpu.memory_space<hbm>>)
      tpu.yield
    }) : () -> ()
    return
  }
}

</mosaic_0001>

<sc_bundles>
// kernel: kernel.3.cloned.1.call-start
scs
__scs_entry_jumppad:
0x0: {  	(pc) =	sbr.rel $0x88, $3  }
0x1: {  	(tag) =	ssettag $0x0;
	lr =	simm.s32 $0x1  }
0x2: {  	[smem:$0x3F9E] =	sst lr;
	_ =	strace $0xD0000000  }
0x3: {  	_ = 	snop  }
0x4: {  	_ = 	snop  }
0x5: {  	_ = 	snop  }
0x6: {  	_ = 	snop  }
0x7: {  	_ = 	snop  }
__scs_overlays_trampoline_lowered:
0x8: {  	[smem:$0x3FAD] =	sst s0  }
0x9: {  	[smem:$0x3FAE] =	sst s1  }
0xa: {  	[smem:$0x3FAF] =	sst s2  }
0xb: {  	[smem:$0x3FB0] =	sst s3  }
0xc: {  	[smem:$0x3FB1] =	sst s4  }
0xd: {  	[smem:$0x3FB2] =	sst s5  }
0xe: {  	[smem:$0x3FB3] =	sst s6  }
0xf: {  	[smem:$0x3FB4] =	sst s7  }
0x10: {  	[smem:$0x3FB5] =	sst s8  }
0x11: {  	[smem:$0x3FB6] =	sst s9;
	s0 =	simm.s32 @!p0 $0x0  }
0x12: {  	s1 =	sld [smem:$0x3F9C];
	s0 =	simm.s32 @p0 $0x1  }
0x13: {  	[smem:$0x3FB7] =	sst s0;
	s0 =	simm.s32 @!p1 $0x0  }
0x14: {  	s2 =	sld [smem:$0x3F9B];
	s0 =	simm.s32 @p1 $0x1  }
0x15: {  	[smem:$0x3FB8] =	sst s0;
	s0 =	simm.s32 @!p2 $0x0  }
0x16: {  	s3 =	sld [smem:$0x3FDB];
	s0 =	simm.s32 @p2 $0x1  }
0x17: {  	s4 =	simm.s32 $0x1BF5;
	[smem:$0x3FBA] =	sst s0  }
0x18: {  	s0 =	sld [smem:$0x3F9D];
	_ =	swait.ge [sflag:s4], $0x0  }
0x19: {  	s7 =	sld [smem:$0x3F9E]  }
0x1a: {  	s8 =	sadd.s32 $0xFFFFE003, lr  }
0x1b: {  	s9 =	sadd.s32 $0xFFFFFEF7, lr;
	s5 =	simm.s32 $0xFFFFFFFF;
	p2 =	slt.u32 s8, $0xFFFFF086  }
0x1c: {  	p1 =	slt.u32 s9, $0xF7A;
	s5 =	simm.s32 @!p2 $0x0  }
0x1d: {  	s5 =	simm.s32 @p1 $0x1;
	p0 =	seq.s32 s7, s2  }
0x1e: {  	s7 =	smul.u32 @!p0 $0xF7A, s2;
	p2 =	seq.s32 @!p0 s5, $0x0  }
0x1f: {  	s9 =	smul.u32 $0xF7A, s1;
	s8 =	simm.s32 @!p0 $0x1BF5;
	p2 =	por !p2, p0  }
0x20: {  	[sflag:s8] =	ssyncset.s32 @!p0 $0xFFFFF086;
	s6 =	sadd.s32 @!p0 s3, s7;
	s7 =	simm.s32 @!p0 $0x108  }
0x21: {  	s3 =	sadd.s32 s3, s9;
	s6 =	sadd.s32 @!p0 $0x88, s6;
	s7 =	simm.s32 @p2 $0x1082  }
0x22: {  	[simem:s7], [sflag:s8] =	dma.local @!p0 [hbm:s6], $0xF7A  }
0x23: {  	s9 =	sor.u32 $0xD0000000, s2;
	s6 =	simm.s32 $0x108;
	_ =	swait.ge @!p0 [sflag:s8], $0x0  }
0x24: {  	s3 =	sadd.s32 $0x88, s3;
	s6 =	simm.s32 @!p1 $0x1082;
	[sflag:s4] =	ssyncset.s32 $0xFFFFF086  }
0x25: {  	[simem:s6], [sflag:s4] =	dma.local [hbm:s3], $0xF7A  }
0x26: {  	[smem:$0x3F9E] =	sst s1;
	(tag) =	ssettag s2;
	_ =	strace s9  }
0x27: {  	s1 =	sld [smem:$0x3FAE]  }
0x28: {  	s2 =	sld [smem:$0x3FAF]  }
0x29: {  	s4 =	sld [smem:$0x3FB1]  }
0x2a: {  	p0 =	seq.s32 s5, $0x0;
	s5 =	sld [smem:$0x3FB2]  }
0x2b: {  	s6 =	sld [smem:$0x3FB3]  }
0x2c: {  	s7 =	sld [smem:$0x3FB4]  }
0x2d: {  	s3 =	simm.s32 $0x108;
	s8 =	sld [smem:$0x3FB5]  }
0x2e: {  	s3 =	simm.s32 @!p0 $0x1082;
	s9 =	sld [smem:$0x3FB6]  }
0x2f: {  	lr =	sadd.s32 s0, s3;
	s0 =	sld [smem:$0x3FAD]  }
0x30: {  	s3 =	sld [smem:$0x3FB0]  }
0x31: {  	[smem:$0x3FB9] =	sst s10  }
0x32: {  	s10 =	sld [smem:$0x3FB7];
	_ =	sdelay $0x3  }
0x33: {  	p0 =	seq.s32 s10, $0x1;
	s10 =	sld [smem:$0x3FB9];
	_ =	sdelay $0x3  }
0x34: {  	[smem:$0x3FB9] =	sst s10  }
0x35: {  	s10 =	sld [smem:$0x3FB8];
	_ =	sdelay $0x3  }
0x36: {  	p1 =	seq.s32 s10, $0x1;
	s10 =	sld [smem:$0x3FB9];
	_ =	sdelay $0x3  }
0x37: {  	[smem:$0x3FB9] =	sst s10  }
0x38: {  	s10 =	sld [smem:$0x3FBA]  }
0x39: {  	_ = 	snop;
	(pc) =	sbr.ind lr, $3  }
0x3a: {  	_ = 	snop  }
0x3b: {  	_ = 	snop  }
0x3c: {  	p2 =	seq.s32 s10, $0x1;
	s10 =	sld [smem:$0x3FB9]  }
0x3d: {  	_ =	shalt  }
0x3e: {  	_ =	shalt  }
0x3f: {  	_ =	shalt  }
0x40: {  	_ =	shalt  }
0x41: {  	_ =	shalt  }
0x42: {  	_ =	shalt  }
0x43: {  	_ =	shalt  }
0x44: {  	_ =	shalt  }
0x45: {  	_ =	shalt  }
0x46: {  	_ =	shalt  }
0x47: {  	_ =	shalt  }
0x48: {  	_ =	shalt  }
0x49: {  	_ =	shalt  }
0x4a: {  	_ =	shalt  }
0x4b: {  	_ =	shalt  }
0x4c: {  	_ =	shalt  }
0x4d: {  	_ =	shalt  }
0x4e: {  	_ =	shalt  }
0x4f: {  	_ =	shalt  }
0x50: {  	_ =	shalt  }
0x51: {  	_ =	shalt  }
0x52: {  	_ =	shalt  }
0x53: {  	_ =	shalt  }
0x54: {  	_ =	shalt  }
0x55: {  	_ =	shalt  }
0x56: {  	_ =	shalt  }
0x57: {  	_ =	shalt  }
0x58: {  	_ =	shalt  }
0x59: {  	_ =	shalt  }
0x5a: {  	_ =	shalt  }
0x5b: {  	_ =	shalt  }
0x5c: {  	_ =	shalt  }
0x5d: {  	_ =	shalt  }
0x5e: {  	_ =	shalt  }
0x5f: {  	_ =	shalt  }
0x60: {  	_ =	shalt  }
0x61: {  	_ =	shalt  }
0x62: {  	_ =	shalt  }
0x63: {  	_ =	shalt  }
0x64: {  	_ =	shalt  }
0x65: {  	_ =	shalt  }
0x66: {  	_ =	shalt  }
0x67: {  	_ =	shalt  }
0x68: {  	_ =	shalt  }
0x69: {  	_ =	shalt  }
0x6a: {  	_ =	shalt  }
0x6b: {  	_ =	shalt  }
0x6c: {  	_ =	shalt  }
0x6d: {  	_ =	shalt  }
0x6e: {  	_ =	shalt  }
0x6f: {  	_ =	shalt  }
0x70: {  	_ =	shalt  }
0x71: {  	_ =	shalt  }
0x72: {  	_ =	shalt  }
0x73: {  	_ =	shalt  }
0x74: {  	_ =	shalt  }
0x75: {  	_ =	shalt  }
0x76: {  	_ =	shalt  }
0x77: {  	_ =	shalt  }
0x78: {  	_ =	shalt  }
0x79: {  	_ =	shalt  }
0x7a: {  	_ =	shalt  }
0x7b: {  	_ =	shalt  }
0x7c: {  	_ =	shalt  }
0x7d: {  	_ =	shalt  }
0x7e: {  	_ =	shalt  }
0x7f: {  	_ =	shalt  }
0x80: {  	_ =	shalt  }
0x81: {  	_ =	shalt  }
0x82: {  	_ =	shalt  }
0x83: {  	_ =	shalt  }
0x84: {  	_ =	shalt  }
0x85: {  	_ =	shalt  }
0x86: {  	_ =	shalt  }
0x87: {  	_ =	shalt  }
.Lfunc_end0:
.L_simem_size_0:
called_computation_lowered:
.L_overlay_start_0:
0x88: {  	s2 =	sld [smem:$0x3FD9]  }
0x89: {  	s3 =	sld [smem:$0x3FFE];
	_ =	sdelay $0x1  }
0x8a: {  	s1 =	srdreg.scid  }
0x8b: {  	s0 =	sand.u32 $0x1, s1  }
0x8c: {  	s17 =	sshll.u32 s0, $0xA;
	s2 =	sadd.s32 s3, s2  }
0x8d: {  	s2 =	sadd.s32 s2, s17  }
0x8e: {  	[smem:$0x3FC5] =	sst s2  }
0x8f: {  	_ = 	snop  }
0x90: {  	s2 =	sld [smem:$0x3FD0];
	(tm) =	ssettm $0x1  }
0x91: {  	s18 =	sld [smem:$0x3FFB];
	_ =	sdelay $0x3  }
0x92: {  	_ =	strace s18  }
0x93: {  	s3 =	sld [smem:$0x3FFC];
	_ =	sdelay $0x3  }
0x94: {  	_ =	strace s3  }
0x95: {  	s3 =	sld [smem:$0x3FFD];
	_ =	sdelay $0x3  }
0x96: {  	_ =	strace s3  }
0x97: {  	_ =	strace $0x8FFFFFFF  }
0x98: {  	s19 =	sld [smem:$0x3FDB];
	_ =	sdelay $0x1  }
0x99: {  	s4 =	simm.s32 $_scs_section_size  }
0x9a: {  	s5 =	simm.s32 $_size__tile_overlayer_lowered;
	s6 =	simm.s32 $_tile_overlayer_lowered  }
0x9b: {  	s22 =	simm.s32 $0x1BFF;
	s21 =	sshll.u32 s6, $0x1;
	s3 =	sadd.s32 s4, s19  }
0x9c: {  	s7 =	simm.s32 $0x0;
	s20 =	sshll.u32 s5, $0x1;
	s5 =	sadd.s32 s21, s3  }
0x9d: {  	[timem:s7], [sflag:s22] =	dma.local [hbm:s5], s20  }
0x9e: {  	_ =	swait.ge [sflag:s22], s20  }
0x9f: {  	s4 =	ssub.s32 $0x0, s20;
	[sflag:s22] =	ssyncset.done $0x0  }
0xa0: {  	[sflag:s22] =	ssyncadd.s32 s4;
	_ =	sdelay $0x1  }
0xa1: {  	s23 =	simm.s32 $0x1B8B  }
0xa2: {  	_ =	swait.ge [sflag:s23], $0x1  }
0xa3: {  	[sflag:s23] =	ssyncset.done $0x0  }
0xa4: {  	s25 =	simm.s32 $0x1B8E;
	s24 =	sld [smem:$0x3FFE];
	[sflag:s23] =	ssyncadd.s32 $0xFFFFFFFF  }
0xa5: {  	s26 =	simm.s32 $execute0_lowered;
	[smem:$0x3FD2] =	sst s25  }
0xa6: {  	s5 =	sshll.u32 s26, $0x1;
	_ =	strace $0x80000046;
	[dreg:$0x1] =	wrdreg $0xFFFFFFFF  }
0xa7: {  	s28 =	simm.s32 $_size_execute0_lowered;
	s3 =	sadd.s32 s3, s5;
	[dreg:$0x0] =	wrdreg $0x0  }
0xa8: {  	s5 =	sshll.u32 s28, $0x1;
	[dreg:$0x2] =	wrdreg s3  }
0xa9: {  	[dreg:$0x3] =	wrdreg s5  }
0xaa: {  	[dreg:$0x4] =	wrdreg $0xC0  }
0xab: {  	_ =	task [dreg:s7], $0x5FFFF  }
0xac: {  	[dreg:$0x1] =	wrdreg $0xFFFFFFFF  }
0xad: {  	[dreg:$0x0] =	wrdreg $0x60  }
0xae: {  	[dreg:$0x2] =	wrdreg s24  }
0xaf: {  	[dreg:$0x3] =	wrdreg s2  }
0xb0: {  	[dreg:$0x4] =	wrdreg $0x9  }
0xb1: {  	_ =	task.clear_ibuf [dreg:s7], $0x5FFFF;
	_ =	strace $0x90000046  }
0xb2: {  	s29 =	simm.s32 $0x9;
	_ =	strace $0x80000048  }
0xb3: {  	_ =	swait.ge [sflag:s29], $0x1  }
0xb4: {  	[sflag:s29] =	ssyncadd.s32 $0xFFFFFFFF  }
0xb5: {  	_ =	strace $0x90000048  }
0xb6: {  	_ =	sfence  }
0xb7: {  	s30 =	sld [smem:$0x0];
	_ =	sdelay $0x2  }
0xb8: {  	s31 =	sshll.u32 s1, $0xD;
	s1 =	sshrl.u32 s1, $0x2  }
0xb9: {  	s3 =	sand.u32 $0x4000, s31;
	s1 =	sadd.s32 s1, s30  }
0xba: {  	s0 =	sor.u32 s3, s0;
	s1 =	sshll.u32 s1, $0x11  }
0xbb: {  	s0 =	sor.u32 s1, s0  }
0xbc: {  	s0 =	sadd.s32 $0x8F2B, s0  }
0xbd: {  	[sflag:s0] =	ssyncadd.remote.s32 $0x1  }
0xbe: {  	_ =	sfence.sel $0xFFFF  }
0xbf: {  	[dreg:$0x0] =	wrdreg $0xFFFFFFFF;
	(pc) =	sbr.abs _section_cstart, $3  }
0xc0: {  	[dreg:$0x1] =	wrdreg $0xFFFFFFFF  }
0xc1: {  	_ =	task.clear_ibuf [dreg:s7], $0x2FFFF;
	_ =	strace $0x9FFFFFFF  }
0xc2: {  	(tm) =	ssettm $0x7FFFFFFF  }
0xc3: {  	_ =	shalt  }
tec
execute0_lowered:
.L_overlay_start_1:
0x0: {  	(tag) =	ssettag $0x1  }
0x1: {  	s5 =	rddreg [dreg:$0x0]  }
0x2: {  	s1 =	rddreg [dreg:$0x1]  }
0x3: {  	s0 =	rddreg [dreg:$0x2];
	s3 =	simm.s32 $0x0  }
0x4: {  	s4 =	srdreg.scid;
	s2 =	stileid.u32;
	s10 =	simm.s32 $0x10080  }
0x5: {  	s11 =	simm.s32 $0x2;
	s12 =	simm.s32 $0x1;
	s13 =	simm.s32 $0x10100  }
0x6: {  	s14 =	simm.s32 $0x0;
	s6 =	sand.u32 $0x1, s4;
	s7 =	sshll.u32 s2, $0x1  }
0x7: {  	[smem:$0x7FF] =	sst s3;
	s4 =	sadd.s32 $0x40000, s5;
	s7 =	sor.u32 s6, s7  }
0x8: {  	_ =	strace $0x80000047;
	s6 =	ssub.s32 $0x2, s6;
	s8 =	sshll.u32 s7, $0x1  }
0x9: {  	s9 =	sshrl.u32 s6, $0x1;
	s7 =	sshll.u32 s7, $0xD;
	s8 =	sadd.s32 s8, s5  }
0xa: {  	s9 =	ssub.s32 s6, s9;
	s5 =	sadd.s32 s5, s7;
	s6 =	sadd.s32 $0x1C6A00, s8  }
0xb: {  	s7 =	smax.u32 s9, $0x1;
	s8 =	simm.s32 $0x80;
	s9 =	simm.s32 $0x3  }
.LBB2_1:
0xc: {  	[tilespmem:s8], [sflag:$0x1] =	stream.linear.gather [hbm4b:s5+s3], $0x10000, $0x38;
	[tilespmem:$0x10180] =	vst v63  }
0xd: {  	_ = 	snop  }
0xe: {  	[tilespmem:s3], [sflag:$0x3] =	stream.linear.gather [hbm4b:s1+s3], $0x80, $0x38;
	[tilespmem:$0x10180] =	vst v63  }
0xf: {  	_ =	swait.ge [sflag:s9], $0x80  }
0x10: {  	[sflag:s9] =	ssyncset.done $0x0  }
0x11: {  	[sflag:s9] =	ssyncadd.s32 $0xFFFFFF80  }
0x12: {  	v0 =	vld [tilespmem:$0x0];
	_ =	sdelay $0x4  }
0x13: {  	(v2sf) =	vpush v0, $0x0;
	_ =	sdelay $0xe  }
0x14: {  	s15 =	spop (v2sf)  }
0x15: {  	s15 =	sshll.u32 s15, $0x4  }
0x16: {  	s15 =	sand.u32 $0x1FFFFFF0, s15  }
0x17: {  	s15 =	sadd.s32 s4, s15  }
0x18: {  	[tilespmem:s10], [sflag:$0x2] =	stream.linear.gather [hbm4b:s15+s3], $0x80, $0x38;
	[tilespmem:$0x10180] =	vst v63  }
0x19: {  	_ =	swait.ge [sflag:s11], $0x80  }
0x1a: {  	[sflag:s11] =	ssyncset.done $0x0  }
0x1b: {  	[sflag:s11] =	ssyncadd.s32 $0xFFFFFF80  }
0x1c: {  	_ =	swait.ge [sflag:s12], $0x10000  }
0x1d: {  	[sflag:s12] =	ssyncset.done $0x0  }
0x1e: {  	s31 =	simm.s32 $0x0;
	[sflag:s12] =	ssyncadd.s32 $0xFFFF0000  }
0x1f: {  	v0 =	vld [tilespmem:s31+$0x80];
	_ =	sdelay $0x2  }
0x20: {  	v4 =	vld [tilespmem:s31+$0x90];
	_ =	sdelay $0x1  }
0x21: {  	v5 =	vld [tilespmem:s31+$0xA0];
	v2 =	vmul.f32 v0, v0  }
0x22: {  	v3 =	vimm.f32 $0.0e+00  }
0x23: {  	v1 =	vadd.f32 v0, v3;
	v6 =	vadd.f32 v2, v3;
	v2 =	vld [tilespmem:s31+$0xB0]  }
0x24: {  	s16 =	simm.s32 $0x400;
	s15 =	simm.s32 $0x80;
	v7 =	vmul.f32 v4, v4;
	v4 =	vadd.f32 v4, v3;
	v0 =	vimm.f32 $0.0e+00  }
.LBB2_2:
0x25: {  	p0 =	sne.s32 s16, $0x3FE00;
	v8 =	vld [tilespmem:s15+$0x80]  }
0x26: {  	v6 =	vadd.f32 v7, v6;
	v7 =	vmul.f32 v5, v5;
	v3 =	vadd.f32 v5, v3  }
0x27: {  	v9 =	vld [tilespmem:s15+$0x90]  }
.Ltmp0:
0x28: {  	v6 =	vadd.f32 v7, v6;
	v7 =	vmul.f32 v2, v2;
	v0 =	vadd.f32 v2, v0;
	(pc) =	sbr.rel @p0 .LBB2_2-.Ltmp0, $4  }
0x29: {  	v5 =	vld [tilespmem:s15+$0xA0]  }
0x2a: {  	v10 =	vmul.f32 v8, v8;
	v1 =	vadd.f32 v8, v1;
	v6 =	vadd.f32 v7, v6  }
0x2b: {  	v2 =	vld [tilespmem:s15+$0xB0]  }
0x2c: {  	s15 =	sshra.s32 s16, $0x2;
	s16 =	sadd.s32 $0x200, s16;
	v6 =	vadd.f32 v10, v6;
	v7 =	vmul.f32 v9, v9;
	v4 =	vadd.f32 v9, v4  }
0x2d: {  	v8 =	vld [tilespmem:s15+$0x80]  }
0x2e: {  	v9 =	vld [tilespmem:s15+$0x90]  }
0x2f: {  	v10 =	vld [tilespmem:s15+$0xA0]  }
0x30: {  	v11 =	vld [tilespmem:$0x10080]  }
0x31: {  	v12 =	vld [tilespmem:$0x10090];
	v6 =	vadd.f32 v7, v6;
	v49 =	vmul.f32 v5, v5  }
0x32: {  	v13 =	vld [tilespmem:s15+$0xB0];
	v3 =	vadd.f32 v5, v3  }
0x33: {  	v52 =	vld [tilespmem:$0x100A0];
	v50 =	vadd.f32 v49, v6;
	v51 =	vmul.f32 v2, v2;
	v0 =	vadd.f32 v2, v0  }
0x34: {  	v1 =	vadd.f32 v8, v1;
	v4 =	vadd.f32 v9, v4  }
0x35: {  	v53 =	vld [tilespmem:$0x100B0];
	v8 =	vmul.f32 v8, v8;
	v5 =	vadd.f32 v51, v50;
	v55 =	vmul.f32 v9, v9  }
0x36: {  	v3 =	vadd.f32 v10, v3;
	v1 =	vmul.f32 v11, v1;
	v4 =	vmul.f32 v12, v4  }
0x37: {  	v0 =	vadd.f32 v13, v0;
	v56 =	vmul.f32 v11, v11;
	v54 =	vadd.f32 v8, v5  }
0x38: {  	v57 =	vmul.f32 v12, v12;
	v3 =	vmul.f32 v52, v3;
	v1 =	vadd.f32 v4, v1  }
0x39: {  	v58 =	vmul.f32 v10, v10;
	v60 =	vmul.f32 v52, v52;
	v2 =	vadd.f32 v55, v54  }
0x3a: {  	v0 =	vmul.f32 v53, v0;
	v59 =	vadd.f32 v57, v56;
	v1 =	vadd.f32 v3, v1  }
0x3b: {  	v61 =	vmul.f32 v13, v13;
	v2 =	vadd.f32 v58, v2  }
0x3c: {  	v63 =	vmul.f32 v53, v53;
	v62 =	vadd.f32 v60, v59;
	v0 =	vadd.f32 v0, v1  }
0x3d: {  	v2 =	vadd.f32 v61, v2  }
0x3e: {  	v1 =	vadd.f32 v63, v62;
	v0 =	vadd.f32 v0, v0;
	_ =	sdelay $0x1  }
0x3f: {  	v1 =	vmul.f32 $5.120000000e+02, v1;
	v0 =	vsub.f32 v2, v0;
	_ =	sdelay $0x1  }
0x40: {  	s14 =	sadd.s32 $0x1, s14;
	v0 =	vadd.f32 v0, v1  }
0x41: {  	p0 =	sne.s32 s14, s7  }
.Ltmp1:
0x42: {  	[tilespmem:$0x10100] =	vst v0;
	(pc) =	sbr.rel @p0 .LBB2_1-.Ltmp1, $4  }
0x43: {  	[hbm4b:s6+s3] =	stream.linear.scatter [tilespmem:s13], [sflag:$0x3], $0x10, $0x38;
	[tilespmem:$0x10180] =	vst v63  }
0x44: {  	_ =	swait.ge [sflag:s9], $0x10  }
0x45: {  	[sflag:s9] =	ssyncset.done $0x0  }
0x46: {  	[sflag:s9] =	ssyncadd.s32 $0xFFFFFFF0  }
0x47: {  	_ =	sfence.sel $0x180000  }
0x48: {  	[bflag:$0x0] =	sbarrier.arrive $0xFFFF  }
0x49: {  	p0 =	sne.s32 s2, $0x0;
	_ =	strace $0x90000047  }
0x4a: {  	s0 =	sadd.s32 @!p0 $0x100000, s0;
	[bflag:$0x2] =	sbarrier.arrive $0xFFFF  }
0x4b: {  	[sflag:s0] =	ssyncadd.tile.s32 @!p0 $0x1;
	_ =	shalt  }
.Lfunc_end2:
_tile_overlayer_lowered:
.L_overlay_start_2:
0x4c: {  	(tag) =	ssettag $0x2  }
0x4d: {  	s0 =	rddreg [dreg:$0x0];
	s2 =	stileid.u32  }
0x4e: {  	s1 =	rddreg [dreg:$0x1];
	p0 =	sne.s32 s2, $0x0  }
0x4f: {  	s3 =	rddreg [dreg:$0x2];
	[bflag:$0x3] =	sbarrier.arrive $0xFFFF;
	s2 =	simm.s32 @!p0 $0x1C03  }
0x50: {  	[timem:s3], [sflag:s2] =	dma.local @!p0 [hbm:s0], s1  }
0x51: {  	s0 =	simm.s32 @!p0 $0x3  }
0x52: {  	_ =	swait.ge @!p0 [sflag:s0], s1  }
0x53: {  	s1 =	ssub.s32 @!p0 $0x0, s1;
	[sflag:s0] =	ssyncset.done @!p0 $0x0  }
0x54: {  	[sflag:s0] =	ssyncadd.s32 @!p0 s1  }
0x55: {  	[bflag:$0x3] =	sbarrier.arrive $0xFFFF  }
0x56: {  	_ =	shalt  }

</sc_bundles>
